<compile_context>
chip_gen: v7x
topology: tpu7x:2x2x1
jax: 0.10.2.dev20260603
libtpu: 0.0.44.dev20260713+nightly
codegen_flags: <defaults>
</compile_context>

<pallas_src>
import functools

import jax
import jax.numpy as jnp
from jax import lax
from jax.experimental import pallas as pl
from jax.experimental.pallas import tpu as pltpu
from jax.experimental.pallas import tpu_sc as plsc

NBUF = 5
CHUNK = 128


def _make_lookup(tot, vocab, dim, num_workers):
    assert tot % (num_workers * CHUNK) == 0
    rows_per_worker = tot // num_workers
    chunks = rows_per_worker // CHUNK
    rounds = chunks // NBUF
    assert chunks % NBUF == 0

    mesh = plsc.VectorSubcoreMesh(core_axis_name="c", subcore_axis_name="s")

    @functools.partial(
        pl.kernel,
        mesh=mesh,
        out_type=jax.ShapeDtypeStruct((tot, dim), jnp.float32),
        scratch_types=(
            [
                pltpu.VMEM_SHARED((vocab, dim), jnp.float32),
                pltpu.VMEM((chunks, CHUNK), jnp.int32),
            ]
            + [pltpu.VMEM((CHUNK, dim), jnp.float32) for _ in range(NBUF)]
            + [pltpu.SemaphoreType.DMA for _ in range(2 * NBUF)]
        ),
    )
    def lookup(idx_hbm, table_hbm, out_hbm, table_sp, idx_v, *scratch):
        bufs = scratch[:NBUF]
        gsems = scratch[NBUF : 2 * NBUF]
        ssems = scratch[2 * NBUF :]
        nc = lax.axis_size("c")
        sid = lax.axis_index("s")
        wid = sid * nc + lax.axis_index("c")

        @pl.when(sid == 0)
        def _():
            pltpu.sync_copy(table_hbm, table_sp)

        pltpu.sync_copy(idx_hbm.at[pl.ds(wid * chunks, chunks)], idx_v)
        plsc.subcore_barrier()
        row_base = wid * rows_per_worker

        def gather(b, j):
            pltpu.async_copy(table_sp.at[idx_v.at[j]], bufs[b], gsems[b])

        def out_slice(j):
            return out_hbm.at[pl.ds(row_base + j * CHUNK, CHUNK)]

        for b in range(NBUF):
            gather(b, b)

        def round_step(r, carry):
            for b in range(NBUF):
                j = r * NBUF + b
                pltpu.make_async_copy(table_sp.at[idx_v.at[j]], bufs[b], gsems[b]).wait()
                pltpu.async_copy(bufs[b], out_slice(j), ssems[b])

                @pl.when(j + NBUF < chunks)
                def _():
                    pltpu.make_async_copy(bufs[b], out_slice(j), ssems[b]).wait()
                    gather(b, j + NBUF)

            return carry

        lax.fori_loop(0, rounds, round_step, 0)
        for b in range(NBUF):
            pltpu.make_async_copy(bufs[b], out_slice(chunks - NBUF + b), ssems[b]).wait()

    return lookup


def kernel(char_sequences, char_emb_table):
    batch, word_len = char_sequences.shape
    vocab, dim = char_emb_table.shape
    tot = batch * word_len
    idx2d = char_sequences.T.reshape(tot // CHUNK, CHUNK)
    info = plsc.get_sparse_core_info()
    num_workers = info.num_cores * info.num_subcores
    flat = _make_lookup(tot, vocab, dim, num_workers)(idx2d, char_emb_table)
    return jnp.transpose(flat.reshape(word_len, batch, dim), (1, 0, 2))

# --- scband reference (transcript-rebuilt; emitter-appended) ---
"""Pipeline reference for scband-manceembedding-74715251081307 (READ-ONLY COPY).

The authoritative reference and input builder live on the scoring server;
editing this copy changes nothing except your own understanding.
"""

import jax, jax.numpy as jnp
import numpy as np

CHAR_VOCAB = 1000
EMB_DIM = 128
BATCH = 16384
MAX_WORD_LEN = 20

def setup_inputs(seed: int = 0) -> dict:
    key = jax.random.key(seed)
    k1, k2 = jax.random.split(key)
    char_sequences = jax.random.randint(k1, (BATCH, MAX_WORD_LEN), 0, CHAR_VOCAB, dtype=jnp.int64 if jax.config.read('jax_enable_x64') else jnp.int32)
    # embedding table initialized like nn.init.normal_(mean=0, std=0.1)
    char_emb_table = jax.random.normal(k2, (CHAR_VOCAB, EMB_DIM), dtype=jnp.float32) * 0.1
    return {"char_sequences": char_sequences, "char_emb_table": char_emb_table}

def reference(char_sequences, char_emb_table):
    # nn.Embedding lookup: [B, L] -> [B, L, D]
    return jnp.take(char_emb_table, char_sequences, axis=0)

if __name__ == "__main__":
    import jax
    _d = setup_inputs()
    print(jax.jit(kernel)(*tuple(_d.values())))

</pallas_src>

<mosaic_0001>
#map = affine_map<(d0, d1) -> (0, 0)>
module attributes {stable_mosaic.version = 14 : i64} {
  func.func @lookup(%arg0: i32, %arg1: i32, %arg2: memref<2560x128xi32, #tpu.memory_space<hbm>>, %arg3: memref<1000x128xf32, #tpu.memory_space<hbm>>, %arg4: memref<327680x128xf32, #tpu.memory_space<hbm>>, %arg5: memref<1000x128xf32, #tpu.memory_space<vmem_shared>>, %arg6: memref<80x128xi32, #tpu.memory_space<vmem>>, %arg7: memref<128x128xf32, #tpu.memory_space<vmem>>, %arg8: memref<128x128xf32, #tpu.memory_space<vmem>>, %arg9: memref<128x128xf32, #tpu.memory_space<vmem>>, %arg10: memref<128x128xf32, #tpu.memory_space<vmem>>, %arg11: memref<128x128xf32, #tpu.memory_space<vmem>>, %arg12: memref<!tpu.dma_semaphore, #tpu.memory_space<semaphore_mem>>, %arg13: memref<!tpu.dma_semaphore, #tpu.memory_space<semaphore_mem>>, %arg14: memref<!tpu.dma_semaphore, #tpu.memory_space<semaphore_mem>>, %arg15: memref<!tpu.dma_semaphore, #tpu.memory_space<semaphore_mem>>, %arg16: memref<!tpu.dma_semaphore, #tpu.memory_space<semaphore_mem>>, %arg17: memref<!tpu.dma_semaphore, #tpu.memory_space<semaphore_mem>>, %arg18: memref<!tpu.dma_semaphore, #tpu.memory_space<semaphore_mem>>, %arg19: memref<!tpu.dma_semaphore, #tpu.memory_space<semaphore_mem>>, %arg20: memref<!tpu.dma_semaphore, #tpu.memory_space<semaphore_mem>>, %arg21: memref<!tpu.dma_semaphore, #tpu.memory_space<semaphore_mem>>) attributes {dimension_semantics = [#tpu.dimension_semantics<core_parallel>, #tpu.dimension_semantics<subcore_parallel>], iteration_bounds = array<i64: 2, 16>, scalar_prefetch = 0 : i64, scratch_operands = 17 : i64, tpu.core_type = #tpu.core_type<sc_vector_subcore>, window_params = [{transform_indices = #map}, {transform_indices = #map}, {transform_indices = #map}]} {
    %mul3A = arith.constant 2 : i32
    %mul3A_0 = arith.muli %arg1, %mul3A : i32
    %add3A = arith.addi %mul3A_0, %arg0 : i32
    %eq3A = arith.constant 0 : i32
    %eq3A_1 = arith.cmpi eq, %arg1, %eq3A : i32
    %convert_element_type3A = arith.extui %eq3A_1 : i1 to i32
    %cond3A = arith.constant 0 : i32
    %cond3A_2 = arith.cmpi ne, %convert_element_type3A, %cond3A : i32
    scf.if %cond3A_2 {
      "tpu.region"() ({
        %run_scoped3A = tpu.sem_alloc : memref<!tpu.dma_semaphore, #tpu.memory_space<semaphore_mem>>
        tpu.enqueue_dma source(%arg3 : memref<1000x128xf32, #tpu.memory_space<hbm>>) target(%arg5 : memref<1000x128xf32, #tpu.memory_space<vmem_shared>>) target_semaphore(%run_scoped3A : memref<!tpu.dma_semaphore, #tpu.memory_space<semaphore_mem>>)
        tpu.wait_dma2 semaphore(%run_scoped3A : memref<!tpu.dma_semaphore, #tpu.memory_space<semaphore_mem>>) src(%arg3 : memref<1000x128xf32, #tpu.memory_space<hbm>>) dst(%arg5 : memref<1000x128xf32, #tpu.memory_space<vmem_shared>>)
        tpu.yield
      }) : () -> ()
    } else {
    }
    %mul3A_3 = arith.constant 80 : i32
    %mul3A_4 = arith.muli %add3A, %mul3A_3 : i32
    "tpu.region"() ({
      %run_scoped3A = tpu.sem_alloc : memref<!tpu.dma_semaphore, #tpu.memory_space<semaphore_mem>>
      %dma_start3A_75 = arith.constant 0 : i32
      %dma_start3A_76 = tpu.memref_slice %arg2[%mul3A_4, %dma_start3A_75] : memref<2560x128xi32, #tpu.memory_space<hbm>> -> memref<80x128xi32, #tpu.memory_space<hbm>>
      %dma_start3A_77 = arith.constant 0 : i32
      %dma_start3A_78 = tpu.memref_slice %arg2[%mul3A_4, %dma_start3A_77] : memref<2560x128xi32, #tpu.memory_space<hbm>> -> memref<80x128xi32, #tpu.memory_space<hbm>>
      tpu.enqueue_dma source(%dma_start3A_78 : memref<80x128xi32, #tpu.memory_space<hbm>>) target(%arg6 : memref<80x128xi32, #tpu.memory_space<vmem>>) target_semaphore(%run_scoped3A : memref<!tpu.dma_semaphore, #tpu.memory_space<semaphore_mem>>)
      %dma_wait3A_79 = arith.constant 0 : i32
      %dma_wait3A_80 = tpu.memref_slice %arg2[%mul3A_4, %dma_wait3A_79] : memref<2560x128xi32, #tpu.memory_space<hbm>> -> memref<80x128xi32, #tpu.memory_space<hbm>>
      %dma_wait3A_81 = arith.constant 0 : i32
      %dma_wait3A_82 = tpu.memref_slice %arg2[%mul3A_4, %dma_wait3A_81] : memref<2560x128xi32, #tpu.memory_space<hbm>> -> memref<80x128xi32, #tpu.memory_space<hbm>>
      tpu.wait_dma2 semaphore(%run_scoped3A : memref<!tpu.dma_semaphore, #tpu.memory_space<semaphore_mem>>) src(%dma_wait3A_82 : memref<80x128xi32, #tpu.memory_space<hbm>>) dst(%arg6 : memref<80x128xi32, #tpu.memory_space<vmem>>)
      tpu.yield
    }) : () -> ()
    %barrier3A = arith.constant 0 : index
    tpu.barrier barrier_id(%barrier3A)
    %mul3A_5 = arith.constant 10240 : i32
    %mul3A_6 = arith.muli %add3A, %mul3A_5 : i32
    %dma_start3A = arith.constant 0 : i32
    %dma_start3A_7 = arith.constant 0 : i32
    %dma_start3A_8 = tpu.memref_slice %arg6[%dma_start3A, %dma_start3A_7] : memref<80x128xi32, #tpu.memory_space<vmem>> -> memref<1x128xi32, #tpu.memory_space<vmem>>
    %dma_start3A_9 = tpu.memref_squeeze %dma_start3A_8 : memref<1x128xi32, #tpu.memory_space<vmem>> -> memref<128xi32, #tpu.memory_space<vmem>>
    %dma_start3A_10 = arith.constant 0 : i32
    %dma_start3A_11 = arith.constant 0 : i32
    %dma_start3A_12 = tpu.memref_slice %arg5[%dma_start3A_10, %dma_start3A_11] : memref<1000x128xf32, #tpu.memory_space<vmem_shared>> -> memref<1000x128xf32, #tpu.memory_space<vmem_shared>>
    tpu.enqueue_indirect_dma source(%dma_start3A_12 : memref<1000x128xf32, #tpu.memory_space<vmem_shared>>) target(%arg7 : memref<128x128xf32, #tpu.memory_space<vmem>>) offsets(%dma_start3A_9 : memref<128xi32, #tpu.memory_space<vmem>>) semaphore(%arg12 : memref<!tpu.dma_semaphore, #tpu.memory_space<semaphore_mem>>)
    %dma_start3A_13 = arith.constant 1 : i32
    %dma_start3A_14 = arith.constant 0 : i32
    %dma_start3A_15 = tpu.memref_slice %arg6[%dma_start3A_13, %dma_start3A_14] : memref<80x128xi32, #tpu.memory_space<vmem>> -> memref<1x128xi32, #tpu.memory_space<vmem>>
    %dma_start3A_16 = tpu.memref_squeeze %dma_start3A_15 : memref<1x128xi32, #tpu.memory_space<vmem>> -> memref<128xi32, #tpu.memory_space<vmem>>
    %dma_start3A_17 = arith.constant 0 : i32
    %dma_start3A_18 = arith.constant 0 : i32
    %dma_start3A_19 = tpu.memref_slice %arg5[%dma_start3A_17, %dma_start3A_18] : memref<1000x128xf32, #tpu.memory_space<vmem_shared>> -> memref<1000x128xf32, #tpu.memory_space<vmem_shared>>
    tpu.enqueue_indirect_dma source(%dma_start3A_19 : memref<1000x128xf32, #tpu.memory_space<vmem_shared>>) target(%arg8 : memref<128x128xf32, #tpu.memory_space<vmem>>) offsets(%dma_start3A_16 : memref<128xi32, #tpu.memory_space<vmem>>) semaphore(%arg13 : memref<!tpu.dma_semaphore, #tpu.memory_space<semaphore_mem>>)
    %dma_start3A_20 = arith.constant 2 : i32
    %dma_start3A_21 = arith.constant 0 : i32
    %dma_start3A_22 = tpu.memref_slice %arg6[%dma_start3A_20, %dma_start3A_21] : memref<80x128xi32, #tpu.memory_space<vmem>> -> memref<1x128xi32, #tpu.memory_space<vmem>>
    %dma_start3A_23 = tpu.memref_squeeze %dma_start3A_22 : memref<1x128xi32, #tpu.memory_space<vmem>> -> memref<128xi32, #tpu.memory_space<vmem>>
    %dma_start3A_24 = arith.constant 0 : i32
    %dma_start3A_25 = arith.constant 0 : i32
    %dma_start3A_26 = tpu.memref_slice %arg5[%dma_start3A_24, %dma_start3A_25] : memref<1000x128xf32, #tpu.memory_space<vmem_shared>> -> memref<1000x128xf32, #tpu.memory_space<vmem_shared>>
    tpu.enqueue_indirect_dma source(%dma_start3A_26 : memref<1000x128xf32, #tpu.memory_space<vmem_shared>>) target(%arg9 : memref<128x128xf32, #tpu.memory_space<vmem>>) offsets(%dma_start3A_23 : memref<128xi32, #tpu.memory_space<vmem>>) semaphore(%arg14 : memref<!tpu.dma_semaphore, #tpu.memory_space<semaphore_mem>>)
    %dma_start3A_27 = arith.constant 3 : i32
    %dma_start3A_28 = arith.constant 0 : i32
    %dma_start3A_29 = tpu.memref_slice %arg6[%dma_start3A_27, %dma_start3A_28] : memref<80x128xi32, #tpu.memory_space<vmem>> -> memref<1x128xi32, #tpu.memory_space<vmem>>
    %dma_start3A_30 = tpu.memref_squeeze %dma_start3A_29 : memref<1x128xi32, #tpu.memory_space<vmem>> -> memref<128xi32, #tpu.memory_space<vmem>>
    %dma_start3A_31 = arith.constant 0 : i32
    %dma_start3A_32 = arith.constant 0 : i32
    %dma_start3A_33 = tpu.memref_slice %arg5[%dma_start3A_31, %dma_start3A_32] : memref<1000x128xf32, #tpu.memory_space<vmem_shared>> -> memref<1000x128xf32, #tpu.memory_space<vmem_shared>>
    tpu.enqueue_indirect_dma source(%dma_start3A_33 : memref<1000x128xf32, #tpu.memory_space<vmem_shared>>) target(%arg10 : memref<128x128xf32, #tpu.memory_space<vmem>>) offsets(%dma_start3A_30 : memref<128xi32, #tpu.memory_space<vmem>>) semaphore(%arg15 : memref<!tpu.dma_semaphore, #tpu.memory_space<semaphore_mem>>)
    %dma_start3A_34 = arith.constant 4 : i32
    %dma_start3A_35 = arith.constant 0 : i32
    %dma_start3A_36 = tpu.memref_slice %arg6[%dma_start3A_34, %dma_start3A_35] : memref<80x128xi32, #tpu.memory_space<vmem>> -> memref<1x128xi32, #tpu.memory_space<vmem>>
    %dma_start3A_37 = tpu.memref_squeeze %dma_start3A_36 : memref<1x128xi32, #tpu.memory_space<vmem>> -> memref<128xi32, #tpu.memory_space<vmem>>
    %dma_start3A_38 = arith.constant 0 : i32
    %dma_start3A_39 = arith.constant 0 : i32
    %dma_start3A_40 = tpu.memref_slice %arg5[%dma_start3A_38, %dma_start3A_39] : memref<1000x128xf32, #tpu.memory_space<vmem_shared>> -> memref<1000x128xf32, #tpu.memory_space<vmem_shared>>
    tpu.enqueue_indirect_dma source(%dma_start3A_40 : memref<1000x128xf32, #tpu.memory_space<vmem_shared>>) target(%arg11 : memref<128x128xf32, #tpu.memory_space<vmem>>) offsets(%dma_start3A_37 : memref<128xi32, #tpu.memory_space<vmem>>) semaphore(%arg16 : memref<!tpu.dma_semaphore, #tpu.memory_space<semaphore_mem>>)
    %scan3A = arith.constant 0 : i32
    %scan3A_41 = arith.constant 0 : i32
    %scan3A_42 = arith.constant 16 : i32
    %scan3A_43 = arith.addi %scan3A_41, %scan3A_42 : i32
    %scan3A_44 = arith.constant 1 : i32
    scf.for %scan3A_75 = %scan3A_41 to %scan3A_43 step %scan3A_44  : i32 {
      %mul3A_76 = arith.constant 5 : i32
      %mul3A_77 = arith.muli %scan3A_75, %mul3A_76 : i32
      %add3A_78 = arith.constant 0 : i32
      %add3A_79 = arith.addi %mul3A_77, %add3A_78 : i32
      %dma_wait3A_80 = arith.constant 0 : i32
      %dma_wait3A_81 = tpu.memref_slice %arg6[%add3A_79, %dma_wait3A_80] : memref<80x128xi32, #tpu.memory_space<vmem>> -> memref<1x128xi32, #tpu.memory_space<vmem>>
      %dma_wait3A_82 = tpu.memref_squeeze %dma_wait3A_81 : memref<1x128xi32, #tpu.memory_space<vmem>> -> memref<128xi32, #tpu.memory_space<vmem>>
      %dma_wait3A_83 = arith.constant 0 : i32
      %dma_wait3A_84 = arith.constant 0 : i32
      %dma_wait3A_85 = tpu.memref_slice %arg5[%dma_wait3A_83, %dma_wait3A_84] : memref<1000x128xf32, #tpu.memory_space<vmem_shared>> -> memref<1000x128xf32, #tpu.memory_space<vmem_shared>>
      tpu.wait_indirect_dma semaphore(%arg12 : memref<!tpu.dma_semaphore, #tpu.memory_space<semaphore_mem>>) src(%dma_wait3A_85 : memref<1000x128xf32, #tpu.memory_space<vmem_shared>>) dst(%arg7 : memref<128x128xf32, #tpu.memory_space<vmem>>)
      %mul3A_86 = arith.constant 128 : i32
      %mul3A_87 = arith.muli %add3A_79, %mul3A_86 : i32
      %add3A_88 = arith.addi %mul3A_6, %mul3A_87 : i32
      %dma_start3A_89 = arith.constant 0 : i32
      %dma_start3A_90 = tpu.memref_slice %arg4[%add3A_88, %dma_start3A_89] : memref<327680x128xf32, #tpu.memory_space<hbm>> -> memref<128x128xf32, #tpu.memory_space<hbm>>
      %dma_start3A_91 = arith.constant 0 : i32
      %dma_start3A_92 = tpu.memref_slice %arg4[%add3A_88, %dma_start3A_91] : memref<327680x128xf32, #tpu.memory_space<hbm>> -> memref<128x128xf32, #tpu.memory_space<hbm>>
      tpu.enqueue_dma source(%arg7 : memref<128x128xf32, #tpu.memory_space<vmem>>) target(%dma_start3A_92 : memref<128x128xf32, #tpu.memory_space<hbm>>) target_semaphore(%arg17 : memref<!tpu.dma_semaphore, #tpu.memory_space<semaphore_mem>>)
      %add3A_93 = arith.constant 5 : i32
      %add3A_94 = arith.addi %add3A_79, %add3A_93 : i32
      %lt3A = arith.constant 80 : i32
      %lt3A_95 = arith.cmpi slt, %add3A_94, %lt3A : i32
      %convert_element_type3A_96 = arith.extui %lt3A_95 : i1 to i32
      %cond3A_97 = arith.constant 0 : i32
      %cond3A_98 = arith.cmpi ne, %convert_element_type3A_96, %cond3A_97 : i32
      scf.if %cond3A_98 {
        %mul3A_195 = arith.constant 128 : i32
        %mul3A_196 = arith.muli %add3A_79, %mul3A_195 : i32
        %add3A_197 = arith.addi %mul3A_6, %mul3A_196 : i32
        %dma_wait3A_198 = arith.constant 0 : i32
        %dma_wait3A_199 = tpu.memref_slice %arg4[%add3A_197, %dma_wait3A_198] : memref<327680x128xf32, #tpu.memory_space<hbm>> -> memref<128x128xf32, #tpu.memory_space<hbm>>
        %dma_wait3A_200 = arith.constant 0 : i32
        %dma_wait3A_201 = tpu.memref_slice %arg4[%add3A_197, %dma_wait3A_200] : memref<327680x128xf32, #tpu.memory_space<hbm>> -> memref<128x128xf32, #tpu.memory_space<hbm>>
        tpu.wait_dma2 semaphore(%arg17 : memref<!tpu.dma_semaphore, #tpu.memory_space<semaphore_mem>>) src(%arg7 : memref<128x128xf32, #tpu.memory_space<vmem>>) dst(%dma_wait3A_201 : memref<128x128xf32, #tpu.memory_space<hbm>>)
        %add3A_202 = arith.constant 5 : i32
        %add3A_203 = arith.addi %add3A_79, %add3A_202 : i32
        %dma_start3A_204 = arith.constant 0 : i32
        %dma_start3A_205 = tpu.memref_slice %arg6[%add3A_203, %dma_start3A_204] : memref<80x128xi32, #tpu.memory_space<vmem>> -> memref<1x128xi32, #tpu.memory_space<vmem>>
        %dma_start3A_206 = tpu.memref_squeeze %dma_start3A_205 : memref<1x128xi32, #tpu.memory_space<vmem>> -> memref<128xi32, #tpu.memory_space<vmem>>
        %dma_start3A_207 = arith.constant 0 : i32
        %dma_start3A_208 = arith.constant 0 : i32
        %dma_start3A_209 = tpu.memref_slice %arg5[%dma_start3A_207, %dma_start3A_208] : memref<1000x128xf32, #tpu.memory_space<vmem_shared>> -> memref<1000x128xf32, #tpu.memory_space<vmem_shared>>
        tpu.enqueue_indirect_dma source(%dma_start3A_209 : memref<1000x128xf32, #tpu.memory_space<vmem_shared>>) target(%arg7 : memref<128x128xf32, #tpu.memory_space<vmem>>) offsets(%dma_start3A_206 : memref<128xi32, #tpu.memory_space<vmem>>) semaphore(%arg12 : memref<!tpu.dma_semaphore, #tpu.memory_space<semaphore_mem>>)
      } else {
      }
      %mul3A_99 = arith.constant 5 : i32
      %mul3A_100 = arith.muli %scan3A_75, %mul3A_99 : i32
      %add3A_101 = arith.constant 1 : i32
      %add3A_102 = arith.addi %mul3A_100, %add3A_101 : i32
      %dma_wait3A_103 = arith.constant 0 : i32
      %dma_wait3A_104 = tpu.memref_slice %arg6[%add3A_102, %dma_wait3A_103] : memref<80x128xi32, #tpu.memory_space<vmem>> -> memref<1x128xi32, #tpu.memory_space<vmem>>
      %dma_wait3A_105 = tpu.memref_squeeze %dma_wait3A_104 : memref<1x128xi32, #tpu.memory_space<vmem>> -> memref<128xi32, #tpu.memory_space<vmem>>
      %dma_wait3A_106 = arith.constant 0 : i32
      %dma_wait3A_107 = arith.constant 0 : i32
      %dma_wait3A_108 = tpu.memref_slice %arg5[%dma_wait3A_106, %dma_wait3A_107] : memref<1000x128xf32, #tpu.memory_space<vmem_shared>> -> memref<1000x128xf32, #tpu.memory_space<vmem_shared>>
      tpu.wait_indirect_dma semaphore(%arg13 : memref<!tpu.dma_semaphore, #tpu.memory_space<semaphore_mem>>) src(%dma_wait3A_108 : memref<1000x128xf32, #tpu.memory_space<vmem_shared>>) dst(%arg8 : memref<128x128xf32, #tpu.memory_space<vmem>>)
      %mul3A_109 = arith.constant 128 : i32
      %mul3A_110 = arith.muli %add3A_102, %mul3A_109 : i32
      %add3A_111 = arith.addi %mul3A_6, %mul3A_110 : i32
      %dma_start3A_112 = arith.constant 0 : i32
      %dma_start3A_113 = tpu.memref_slice %arg4[%add3A_111, %dma_start3A_112] : memref<327680x128xf32, #tpu.memory_space<hbm>> -> memref<128x128xf32, #tpu.memory_space<hbm>>
      %dma_start3A_114 = arith.constant 0 : i32
      %dma_start3A_115 = tpu.memref_slice %arg4[%add3A_111, %dma_start3A_114] : memref<327680x128xf32, #tpu.memory_space<hbm>> -> memref<128x128xf32, #tpu.memory_space<hbm>>
      tpu.enqueue_dma source(%arg8 : memref<128x128xf32, #tpu.memory_space<vmem>>) target(%dma_start3A_115 : memref<128x128xf32, #tpu.memory_space<hbm>>) target_semaphore(%arg18 : memref<!tpu.dma_semaphore, #tpu.memory_space<semaphore_mem>>)
      %add3A_116 = arith.constant 5 : i32
      %add3A_117 = arith.addi %add3A_102, %add3A_116 : i32
      %lt3A_118 = arith.constant 80 : i32
      %lt3A_119 = arith.cmpi slt, %add3A_117, %lt3A_118 : i32
      %convert_element_type3A_120 = arith.extui %lt3A_119 : i1 to i32
      %cond3A_121 = arith.constant 0 : i32
      %cond3A_122 = arith.cmpi ne, %convert_element_type3A_120, %cond3A_121 : i32
      scf.if %cond3A_122 {
        %mul3A_195 = arith.constant 128 : i32
        %mul3A_196 = arith.muli %add3A_102, %mul3A_195 : i32
        %add3A_197 = arith.addi %mul3A_6, %mul3A_196 : i32
        %dma_wait3A_198 = arith.constant 0 : i32
        %dma_wait3A_199 = tpu.memref_slice %arg4[%add3A_197, %dma_wait3A_198] : memref<327680x128xf32, #tpu.memory_space<hbm>> -> memref<128x128xf32, #tpu.memory_space<hbm>>
        %dma_wait3A_200 = arith.constant 0 : i32
        %dma_wait3A_201 = tpu.memref_slice %arg4[%add3A_197, %dma_wait3A_200] : memref<327680x128xf32, #tpu.memory_space<hbm>> -> memref<128x128xf32, #tpu.memory_space<hbm>>
        tpu.wait_dma2 semaphore(%arg18 : memref<!tpu.dma_semaphore, #tpu.memory_space<semaphore_mem>>) src(%arg8 : memref<128x128xf32, #tpu.memory_space<vmem>>) dst(%dma_wait3A_201 : memref<128x128xf32, #tpu.memory_space<hbm>>)
        %add3A_202 = arith.constant 5 : i32
        %add3A_203 = arith.addi %add3A_102, %add3A_202 : i32
        %dma_start3A_204 = arith.constant 0 : i32
        %dma_start3A_205 = tpu.memref_slice %arg6[%add3A_203, %dma_start3A_204] : memref<80x128xi32, #tpu.memory_space<vmem>> -> memref<1x128xi32, #tpu.memory_space<vmem>>
        %dma_start3A_206 = tpu.memref_squeeze %dma_start3A_205 : memref<1x128xi32, #tpu.memory_space<vmem>> -> memref<128xi32, #tpu.memory_space<vmem>>
        %dma_start3A_207 = arith.constant 0 : i32
        %dma_start3A_208 = arith.constant 0 : i32
        %dma_start3A_209 = tpu.memref_slice %arg5[%dma_start3A_207, %dma_start3A_208] : memref<1000x128xf32, #tpu.memory_space<vmem_shared>> -> memref<1000x128xf32, #tpu.memory_space<vmem_shared>>
        tpu.enqueue_indirect_dma source(%dma_start3A_209 : memref<1000x128xf32, #tpu.memory_space<vmem_shared>>) target(%arg8 : memref<128x128xf32, #tpu.memory_space<vmem>>) offsets(%dma_start3A_206 : memref<128xi32, #tpu.memory_space<vmem>>) semaphore(%arg13 : memref<!tpu.dma_semaphore, #tpu.memory_space<semaphore_mem>>)
      } else {
      }
      %mul3A_123 = arith.constant 5 : i32
      %mul3A_124 = arith.muli %scan3A_75, %mul3A_123 : i32
      %add3A_125 = arith.constant 2 : i32
      %add3A_126 = arith.addi %mul3A_124, %add3A_125 : i32
      %dma_wait3A_127 = arith.constant 0 : i32
      %dma_wait3A_128 = tpu.memref_slice %arg6[%add3A_126, %dma_wait3A_127] : memref<80x128xi32, #tpu.memory_space<vmem>> -> memref<1x128xi32, #tpu.memory_space<vmem>>
      %dma_wait3A_129 = tpu.memref_squeeze %dma_wait3A_128 : memref<1x128xi32, #tpu.memory_space<vmem>> -> memref<128xi32, #tpu.memory_space<vmem>>
      %dma_wait3A_130 = arith.constant 0 : i32
      %dma_wait3A_131 = arith.constant 0 : i32
      %dma_wait3A_132 = tpu.memref_slice %arg5[%dma_wait3A_130, %dma_wait3A_131] : memref<1000x128xf32, #tpu.memory_space<vmem_shared>> -> memref<1000x128xf32, #tpu.memory_space<vmem_shared>>
      tpu.wait_indirect_dma semaphore(%arg14 : memref<!tpu.dma_semaphore, #tpu.memory_space<semaphore_mem>>) src(%dma_wait3A_132 : memref<1000x128xf32, #tpu.memory_space<vmem_shared>>) dst(%arg9 : memref<128x128xf32, #tpu.memory_space<vmem>>)
      %mul3A_133 = arith.constant 128 : i32
      %mul3A_134 = arith.muli %add3A_126, %mul3A_133 : i32
      %add3A_135 = arith.addi %mul3A_6, %mul3A_134 : i32
      %dma_start3A_136 = arith.constant 0 : i32
      %dma_start3A_137 = tpu.memref_slice %arg4[%add3A_135, %dma_start3A_136] : memref<327680x128xf32, #tpu.memory_space<hbm>> -> memref<128x128xf32, #tpu.memory_space<hbm>>
      %dma_start3A_138 = arith.constant 0 : i32
      %dma_start3A_139 = tpu.memref_slice %arg4[%add3A_135, %dma_start3A_138] : memref<327680x128xf32, #tpu.memory_space<hbm>> -> memref<128x128xf32, #tpu.memory_space<hbm>>
      tpu.enqueue_dma source(%arg9 : memref<128x128xf32, #tpu.memory_space<vmem>>) target(%dma_start3A_139 : memref<128x128xf32, #tpu.memory_space<hbm>>) target_semaphore(%arg19 : memref<!tpu.dma_semaphore, #tpu.memory_space<semaphore_mem>>)
      %add3A_140 = arith.constant 5 : i32
      %add3A_141 = arith.addi %add3A_126, %add3A_140 : i32
      %lt3A_142 = arith.constant 80 : i32
      %lt3A_143 = arith.cmpi slt, %add3A_141, %lt3A_142 : i32
      %convert_element_type3A_144 = arith.extui %lt3A_143 : i1 to i32
      %cond3A_145 = arith.constant 0 : i32
      %cond3A_146 = arith.cmpi ne, %convert_element_type3A_144, %cond3A_145 : i32
      scf.if %cond3A_146 {
        %mul3A_195 = arith.constant 128 : i32
        %mul3A_196 = arith.muli %add3A_126, %mul3A_195 : i32
        %add3A_197 = arith.addi %mul3A_6, %mul3A_196 : i32
        %dma_wait3A_198 = arith.constant 0 : i32
        %dma_wait3A_199 = tpu.memref_slice %arg4[%add3A_197, %dma_wait3A_198] : memref<327680x128xf32, #tpu.memory_space<hbm>> -> memref<128x128xf32, #tpu.memory_space<hbm>>
        %dma_wait3A_200 = arith.constant 0 : i32
        %dma_wait3A_201 = tpu.memref_slice %arg4[%add3A_197, %dma_wait3A_200] : memref<327680x128xf32, #tpu.memory_space<hbm>> -> memref<128x128xf32, #tpu.memory_space<hbm>>
        tpu.wait_dma2 semaphore(%arg19 : memref<!tpu.dma_semaphore, #tpu.memory_space<semaphore_mem>>) src(%arg9 : memref<128x128xf32, #tpu.memory_space<vmem>>) dst(%dma_wait3A_201 : memref<128x128xf32, #tpu.memory_space<hbm>>)
        %add3A_202 = arith.constant 5 : i32
        %add3A_203 = arith.addi %add3A_126, %add3A_202 : i32
        %dma_start3A_204 = arith.constant 0 : i32
        %dma_start3A_205 = tpu.memref_slice %arg6[%add3A_203, %dma_start3A_204] : memref<80x128xi32, #tpu.memory_space<vmem>> -> memref<1x128xi32, #tpu.memory_space<vmem>>
        %dma_start3A_206 = tpu.memref_squeeze %dma_start3A_205 : memref<1x128xi32, #tpu.memory_space<vmem>> -> memref<128xi32, #tpu.memory_space<vmem>>
        %dma_start3A_207 = arith.constant 0 : i32
        %dma_start3A_208 = arith.constant 0 : i32
        %dma_start3A_209 = tpu.memref_slice %arg5[%dma_start3A_207, %dma_start3A_208] : memref<1000x128xf32, #tpu.memory_space<vmem_shared>> -> memref<1000x128xf32, #tpu.memory_space<vmem_shared>>
        tpu.enqueue_indirect_dma source(%dma_start3A_209 : memref<1000x128xf32, #tpu.memory_space<vmem_shared>>) target(%arg9 : memref<128x128xf32, #tpu.memory_space<vmem>>) offsets(%dma_start3A_206 : memref<128xi32, #tpu.memory_space<vmem>>) semaphore(%arg14 : memref<!tpu.dma_semaphore, #tpu.memory_space<semaphore_mem>>)
      } else {
      }
      %mul3A_147 = arith.constant 5 : i32
      %mul3A_148 = arith.muli %scan3A_75, %mul3A_147 : i32
      %add3A_149 = arith.constant 3 : i32
      %add3A_150 = arith.addi %mul3A_148, %add3A_149 : i32
      %dma_wait3A_151 = arith.constant 0 : i32
      %dma_wait3A_152 = tpu.memref_slice %arg6[%add3A_150, %dma_wait3A_151] : memref<80x128xi32, #tpu.memory_space<vmem>> -> memref<1x128xi32, #tpu.memory_space<vmem>>
      %dma_wait3A_153 = tpu.memref_squeeze %dma_wait3A_152 : memref<1x128xi32, #tpu.memory_space<vmem>> -> memref<128xi32, #tpu.memory_space<vmem>>
      %dma_wait3A_154 = arith.constant 0 : i32
      %dma_wait3A_155 = arith.constant 0 : i32
      %dma_wait3A_156 = tpu.memref_slice %arg5[%dma_wait3A_154, %dma_wait3A_155] : memref<1000x128xf32, #tpu.memory_space<vmem_shared>> -> memref<1000x128xf32, #tpu.memory_space<vmem_shared>>
      tpu.wait_indirect_dma semaphore(%arg15 : memref<!tpu.dma_semaphore, #tpu.memory_space<semaphore_mem>>) src(%dma_wait3A_156 : memref<1000x128xf32, #tpu.memory_space<vmem_shared>>) dst(%arg10 : memref<128x128xf32, #tpu.memory_space<vmem>>)
      %mul3A_157 = arith.constant 128 : i32
      %mul3A_158 = arith.muli %add3A_150, %mul3A_157 : i32
      %add3A_159 = arith.addi %mul3A_6, %mul3A_158 : i32
      %dma_start3A_160 = arith.constant 0 : i32
      %dma_start3A_161 = tpu.memref_slice %arg4[%add3A_159, %dma_start3A_160] : memref<327680x128xf32, #tpu.memory_space<hbm>> -> memref<128x128xf32, #tpu.memory_space<hbm>>
      %dma_start3A_162 = arith.constant 0 : i32
      %dma_start3A_163 = tpu.memref_slice %arg4[%add3A_159, %dma_start3A_162] : memref<327680x128xf32, #tpu.memory_space<hbm>> -> memref<128x128xf32, #tpu.memory_space<hbm>>
      tpu.enqueue_dma source(%arg10 : memref<128x128xf32, #tpu.memory_space<vmem>>) target(%dma_start3A_163 : memref<128x128xf32, #tpu.memory_space<hbm>>) target_semaphore(%arg20 : memref<!tpu.dma_semaphore, #tpu.memory_space<semaphore_mem>>)
      %add3A_164 = arith.constant 5 : i32
      %add3A_165 = arith.addi %add3A_150, %add3A_164 : i32
      %lt3A_166 = arith.constant 80 : i32
      %lt3A_167 = arith.cmpi slt, %add3A_165, %lt3A_166 : i32
      %convert_element_type3A_168 = arith.extui %lt3A_167 : i1 to i32
      %cond3A_169 = arith.constant 0 : i32
      %cond3A_170 = arith.cmpi ne, %convert_element_type3A_168, %cond3A_169 : i32
      scf.if %cond3A_170 {
        %mul3A_195 = arith.constant 128 : i32
        %mul3A_196 = arith.muli %add3A_150, %mul3A_195 : i32
        %add3A_197 = arith.addi %mul3A_6, %mul3A_196 : i32
        %dma_wait3A_198 = arith.constant 0 : i32
        %dma_wait3A_199 = tpu.memref_slice %arg4[%add3A_197, %dma_wait3A_198] : memref<327680x128xf32, #tpu.memory_space<hbm>> -> memref<128x128xf32, #tpu.memory_space<hbm>>
        %dma_wait3A_200 = arith.constant 0 : i32
        %dma_wait3A_201 = tpu.memref_slice %arg4[%add3A_197, %dma_wait3A_200] : memref<327680x128xf32, #tpu.memory_space<hbm>> -> memref<128x128xf32, #tpu.memory_space<hbm>>
        tpu.wait_dma2 semaphore(%arg20 : memref<!tpu.dma_semaphore, #tpu.memory_space<semaphore_mem>>) src(%arg10 : memref<128x128xf32, #tpu.memory_space<vmem>>) dst(%dma_wait3A_201 : memref<128x128xf32, #tpu.memory_space<hbm>>)
        %add3A_202 = arith.constant 5 : i32
        %add3A_203 = arith.addi %add3A_150, %add3A_202 : i32
        %dma_start3A_204 = arith.constant 0 : i32
        %dma_start3A_205 = tpu.memref_slice %arg6[%add3A_203, %dma_start3A_204] : memref<80x128xi32, #tpu.memory_space<vmem>> -> memref<1x128xi32, #tpu.memory_space<vmem>>
        %dma_start3A_206 = tpu.memref_squeeze %dma_start3A_205 : memref<1x128xi32, #tpu.memory_space<vmem>> -> memref<128xi32, #tpu.memory_space<vmem>>
        %dma_start3A_207 = arith.constant 0 : i32
        %dma_start3A_208 = arith.constant 0 : i32
        %dma_start3A_209 = tpu.memref_slice %arg5[%dma_start3A_207, %dma_start3A_208] : memref<1000x128xf32, #tpu.memory_space<vmem_shared>> -> memref<1000x128xf32, #tpu.memory_space<vmem_shared>>
        tpu.enqueue_indirect_dma source(%dma_start3A_209 : memref<1000x128xf32, #tpu.memory_space<vmem_shared>>) target(%arg10 : memref<128x128xf32, #tpu.memory_space<vmem>>) offsets(%dma_start3A_206 : memref<128xi32, #tpu.memory_space<vmem>>) semaphore(%arg15 : memref<!tpu.dma_semaphore, #tpu.memory_space<semaphore_mem>>)
      } else {
      }
      %mul3A_171 = arith.constant 5 : i32
      %mul3A_172 = arith.muli %scan3A_75, %mul3A_171 : i32
      %add3A_173 = arith.constant 4 : i32
      %add3A_174 = arith.addi %mul3A_172, %add3A_173 : i32
      %dma_wait3A_175 = arith.constant 0 : i32
      %dma_wait3A_176 = tpu.memref_slice %arg6[%add3A_174, %dma_wait3A_175] : memref<80x128xi32, #tpu.memory_space<vmem>> -> memref<1x128xi32, #tpu.memory_space<vmem>>
      %dma_wait3A_177 = tpu.memref_squeeze %dma_wait3A_176 : memref<1x128xi32, #tpu.memory_space<vmem>> -> memref<128xi32, #tpu.memory_space<vmem>>
      %dma_wait3A_178 = arith.constant 0 : i32
      %dma_wait3A_179 = arith.constant 0 : i32
      %dma_wait3A_180 = tpu.memref_slice %arg5[%dma_wait3A_178, %dma_wait3A_179] : memref<1000x128xf32, #tpu.memory_space<vmem_shared>> -> memref<1000x128xf32, #tpu.memory_space<vmem_shared>>
      tpu.wait_indirect_dma semaphore(%arg16 : memref<!tpu.dma_semaphore, #tpu.memory_space<semaphore_mem>>) src(%dma_wait3A_180 : memref<1000x128xf32, #tpu.memory_space<vmem_shared>>) dst(%arg11 : memref<128x128xf32, #tpu.memory_space<vmem>>)
      %mul3A_181 = arith.constant 128 : i32
      %mul3A_182 = arith.muli %add3A_174, %mul3A_181 : i32
      %add3A_183 = arith.addi %mul3A_6, %mul3A_182 : i32
      %dma_start3A_184 = arith.constant 0 : i32
      %dma_start3A_185 = tpu.memref_slice %arg4[%add3A_183, %dma_start3A_184] : memref<327680x128xf32, #tpu.memory_space<hbm>> -> memref<128x128xf32, #tpu.memory_space<hbm>>
      %dma_start3A_186 = arith.constant 0 : i32
      %dma_start3A_187 = tpu.memref_slice %arg4[%add3A_183, %dma_start3A_186] : memref<327680x128xf32, #tpu.memory_space<hbm>> -> memref<128x128xf32, #tpu.memory_space<hbm>>
      tpu.enqueue_dma source(%arg11 : memref<128x128xf32, #tpu.memory_space<vmem>>) target(%dma_start3A_187 : memref<128x128xf32, #tpu.memory_space<hbm>>) target_semaphore(%arg21 : memref<!tpu.dma_semaphore, #tpu.memory_space<semaphore_mem>>)
      %add3A_188 = arith.constant 5 : i32
      %add3A_189 = arith.addi %add3A_174, %add3A_188 : i32
      %lt3A_190 = arith.constant 80 : i32
      %lt3A_191 = arith.cmpi slt, %add3A_189, %lt3A_190 : i32
      %convert_element_type3A_192 = arith.extui %lt3A_191 : i1 to i32
      %cond3A_193 = arith.constant 0 : i32
      %cond3A_194 = arith.cmpi ne, %convert_element_type3A_192, %cond3A_193 : i32
      scf.if %cond3A_194 {
        %mul3A_195 = arith.constant 128 : i32
        %mul3A_196 = arith.muli %add3A_174, %mul3A_195 : i32
        %add3A_197 = arith.addi %mul3A_6, %mul3A_196 : i32
        %dma_wait3A_198 = arith.constant 0 : i32
        %dma_wait3A_199 = tpu.memref_slice %arg4[%add3A_197, %dma_wait3A_198] : memref<327680x128xf32, #tpu.memory_space<hbm>> -> memref<128x128xf32, #tpu.memory_space<hbm>>
        %dma_wait3A_200 = arith.constant 0 : i32
        %dma_wait3A_201 = tpu.memref_slice %arg4[%add3A_197, %dma_wait3A_200] : memref<327680x128xf32, #tpu.memory_space<hbm>> -> memref<128x128xf32, #tpu.memory_space<hbm>>
        tpu.wait_dma2 semaphore(%arg21 : memref<!tpu.dma_semaphore, #tpu.memory_space<semaphore_mem>>) src(%arg11 : memref<128x128xf32, #tpu.memory_space<vmem>>) dst(%dma_wait3A_201 : memref<128x128xf32, #tpu.memory_space<hbm>>)
        %add3A_202 = arith.constant 5 : i32
        %add3A_203 = arith.addi %add3A_174, %add3A_202 : i32
        %dma_start3A_204 = arith.constant 0 : i32
        %dma_start3A_205 = tpu.memref_slice %arg6[%add3A_203, %dma_start3A_204] : memref<80x128xi32, #tpu.memory_space<vmem>> -> memref<1x128xi32, #tpu.memory_space<vmem>>
        %dma_start3A_206 = tpu.memref_squeeze %dma_start3A_205 : memref<1x128xi32, #tpu.memory_space<vmem>> -> memref<128xi32, #tpu.memory_space<vmem>>
        %dma_start3A_207 = arith.constant 0 : i32
        %dma_start3A_208 = arith.constant 0 : i32
        %dma_start3A_209 = tpu.memref_slice %arg5[%dma_start3A_207, %dma_start3A_208] : memref<1000x128xf32, #tpu.memory_space<vmem_shared>> -> memref<1000x128xf32, #tpu.memory_space<vmem_shared>>
        tpu.enqueue_indirect_dma source(%dma_start3A_209 : memref<1000x128xf32, #tpu.memory_space<vmem_shared>>) target(%arg11 : memref<128x128xf32, #tpu.memory_space<vmem>>) offsets(%dma_start3A_206 : memref<128xi32, #tpu.memory_space<vmem>>) semaphore(%arg16 : memref<!tpu.dma_semaphore, #tpu.memory_space<semaphore_mem>>)
      } else {
      }
    }
    %scan3A_45 = arith.constant 16 : i32
    %add3A_46 = arith.constant 9600 : i32
    %add3A_47 = arith.addi %mul3A_6, %add3A_46 : i32
    %dma_wait3A = arith.constant 0 : i32
    %dma_wait3A_48 = tpu.memref_slice %arg4[%add3A_47, %dma_wait3A] : memref<327680x128xf32, #tpu.memory_space<hbm>> -> memref<128x128xf32, #tpu.memory_space<hbm>>
    %dma_wait3A_49 = arith.constant 0 : i32
    %dma_wait3A_50 = tpu.memref_slice %arg4[%add3A_47, %dma_wait3A_49] : memref<327680x128xf32, #tpu.memory_space<hbm>> -> memref<128x128xf32, #tpu.memory_space<hbm>>
    tpu.wait_dma2 semaphore(%arg17 : memref<!tpu.dma_semaphore, #tpu.memory_space<semaphore_mem>>) src(%arg7 : memref<128x128xf32, #tpu.memory_space<vmem>>) dst(%dma_wait3A_50 : memref<128x128xf32, #tpu.memory_space<hbm>>)
    %add3A_51 = arith.constant 9728 : i32
    %add3A_52 = arith.addi %mul3A_6, %add3A_51 : i32
    %dma_wait3A_53 = arith.constant 0 : i32
    %dma_wait3A_54 = tpu.memref_slice %arg4[%add3A_52, %dma_wait3A_53] : memref<327680x128xf32, #tpu.memory_space<hbm>> -> memref<128x128xf32, #tpu.memory_space<hbm>>
    %dma_wait3A_55 = arith.constant 0 : i32
    %dma_wait3A_56 = tpu.memref_slice %arg4[%add3A_52, %dma_wait3A_55] : memref<327680x128xf32, #tpu.memory_space<hbm>> -> memref<128x128xf32, #tpu.memory_space<hbm>>
    tpu.wait_dma2 semaphore(%arg18 : memref<!tpu.dma_semaphore, #tpu.memory_space<semaphore_mem>>) src(%arg8 : memref<128x128xf32, #tpu.memory_space<vmem>>) dst(%dma_wait3A_56 : memref<128x128xf32, #tpu.memory_space<hbm>>)
    %add3A_57 = arith.constant 9856 : i32
    %add3A_58 = arith.addi %mul3A_6, %add3A_57 : i32
    %dma_wait3A_59 = arith.constant 0 : i32
    %dma_wait3A_60 = tpu.memref_slice %arg4[%add3A_58, %dma_wait3A_59] : memref<327680x128xf32, #tpu.memory_space<hbm>> -> memref<128x128xf32, #tpu.memory_space<hbm>>
    %dma_wait3A_61 = arith.constant 0 : i32
    %dma_wait3A_62 = tpu.memref_slice %arg4[%add3A_58, %dma_wait3A_61] : memref<327680x128xf32, #tpu.memory_space<hbm>> -> memref<128x128xf32, #tpu.memory_space<hbm>>
    tpu.wait_dma2 semaphore(%arg19 : memref<!tpu.dma_semaphore, #tpu.memory_space<semaphore_mem>>) src(%arg9 : memref<128x128xf32, #tpu.memory_space<vmem>>) dst(%dma_wait3A_62 : memref<128x128xf32, #tpu.memory_space<hbm>>)
    %add3A_63 = arith.constant 9984 : i32
    %add3A_64 = arith.addi %mul3A_6, %add3A_63 : i32
    %dma_wait3A_65 = arith.constant 0 : i32
    %dma_wait3A_66 = tpu.memref_slice %arg4[%add3A_64, %dma_wait3A_65] : memref<327680x128xf32, #tpu.memory_space<hbm>> -> memref<128x128xf32, #tpu.memory_space<hbm>>
    %dma_wait3A_67 = arith.constant 0 : i32
    %dma_wait3A_68 = tpu.memref_slice %arg4[%add3A_64, %dma_wait3A_67] : memref<327680x128xf32, #tpu.memory_space<hbm>> -> memref<128x128xf32, #tpu.memory_space<hbm>>
    tpu.wait_dma2 semaphore(%arg20 : memref<!tpu.dma_semaphore, #tpu.memory_space<semaphore_mem>>) src(%arg10 : memref<128x128xf32, #tpu.memory_space<vmem>>) dst(%dma_wait3A_68 : memref<128x128xf32, #tpu.memory_space<hbm>>)
    %add3A_69 = arith.constant 10112 : i32
    %add3A_70 = arith.addi %mul3A_6, %add3A_69 : i32
    %dma_wait3A_71 = arith.constant 0 : i32
    %dma_wait3A_72 = tpu.memref_slice %arg4[%add3A_70, %dma_wait3A_71] : memref<327680x128xf32, #tpu.memory_space<hbm>> -> memref<128x128xf32, #tpu.memory_space<hbm>>
    %dma_wait3A_73 = arith.constant 0 : i32
    %dma_wait3A_74 = tpu.memref_slice %arg4[%add3A_70, %dma_wait3A_73] : memref<327680x128xf32, #tpu.memory_space<hbm>> -> memref<128x128xf32, #tpu.memory_space<hbm>>
    tpu.wait_dma2 semaphore(%arg21 : memref<!tpu.dma_semaphore, #tpu.memory_space<semaphore_mem>>) src(%arg11 : memref<128x128xf32, #tpu.memory_space<vmem>>) dst(%dma_wait3A_74 : memref<128x128xf32, #tpu.memory_space<hbm>>)
    return
  }
}

</mosaic_0001>

<sc_bundles>
// kernel: kernel.3.cloned.1.call-start
scs
__scs_entry_jumppad:
0x0: {  	(pc) =	sbr.rel $0x88, $3  }
0x1: {  	(tag) =	ssettag $0x0;
	lr =	simm.s32 $0x1  }
0x2: {  	[smem:$0x3F9F] =	sst lr;
	_ =	strace $0xD0000000  }
0x3: {  	_ = 	snop  }
0x4: {  	_ = 	snop  }
0x5: {  	_ = 	snop  }
0x6: {  	_ = 	snop  }
0x7: {  	_ = 	snop  }
__scs_overlays_trampoline_lowered:
0x8: {  	[smem:$0x3FAE] =	sst s0  }
0x9: {  	[smem:$0x3FAF] =	sst s1  }
0xa: {  	[smem:$0x3FB0] =	sst s2  }
0xb: {  	[smem:$0x3FB1] =	sst s3  }
0xc: {  	[smem:$0x3FB2] =	sst s4  }
0xd: {  	[smem:$0x3FB3] =	sst s5  }
0xe: {  	[smem:$0x3FB4] =	sst s6  }
0xf: {  	[smem:$0x3FB5] =	sst s7  }
0x10: {  	[smem:$0x3FB6] =	sst s8  }
0x11: {  	[smem:$0x3FB7] =	sst s9;
	s0 =	simm.s32 @!p0 $0x0  }
0x12: {  	s1 =	sld [smem:$0x3F9D];
	s0 =	simm.s32 @p0 $0x1  }
0x13: {  	[smem:$0x3FB8] =	sst s0;
	s0 =	simm.s32 @!p1 $0x0  }
0x14: {  	s2 =	sld [smem:$0x3F9C];
	s0 =	simm.s32 @p1 $0x1  }
0x15: {  	[smem:$0x3FB9] =	sst s0;
	s0 =	simm.s32 @!p2 $0x0  }
0x16: {  	s3 =	sld [smem:$0x3FDB];
	s0 =	simm.s32 @p2 $0x1  }
0x17: {  	s4 =	simm.s32 $0x1BF5;
	[smem:$0x3FBB] =	sst s0  }
0x18: {  	s0 =	sld [smem:$0x3F9E];
	_ =	swait.ge [sflag:s4], $0x0  }
0x19: {  	s7 =	sld [smem:$0x3F9F]  }
0x1a: {  	s8 =	sadd.s32 $0xFFFFE003, lr  }
0x1b: {  	s9 =	sadd.s32 $0xFFFFFEF7, lr;
	s5 =	simm.s32 $0xFFFFFFFF;
	p2 =	slt.u32 s8, $0xFFFFF086  }
0x1c: {  	p1 =	slt.u32 s9, $0xF7A;
	s5 =	simm.s32 @!p2 $0x0  }
0x1d: {  	s5 =	simm.s32 @p1 $0x1;
	p0 =	seq.s32 s7, s2  }
0x1e: {  	s7 =	smul.u32 @!p0 $0xF7A, s2;
	p2 =	seq.s32 @!p0 s5, $0x0  }
0x1f: {  	s9 =	smul.u32 $0xF7A, s1;
	s8 =	simm.s32 @!p0 $0x1BF5;
	p2 =	por !p2, p0  }
0x20: {  	[sflag:s8] =	ssyncset.s32 @!p0 $0xFFFFF086;
	s6 =	sadd.s32 @!p0 s3, s7;
	s7 =	simm.s32 @!p0 $0x108  }
0x21: {  	s3 =	sadd.s32 s3, s9;
	s6 =	sadd.s32 @!p0 $0x88, s6;
	s7 =	simm.s32 @p2 $0x1082  }
0x22: {  	[simem:s7], [sflag:s8] =	dma.local @!p0 [hbm:s6], $0xF7A  }
0x23: {  	s9 =	sor.u32 $0xD0000000, s2;
	s6 =	simm.s32 $0x108;
	_ =	swait.ge @!p0 [sflag:s8], $0x0  }
0x24: {  	s3 =	sadd.s32 $0x88, s3;
	s6 =	simm.s32 @!p1 $0x1082;
	[sflag:s4] =	ssyncset.s32 $0xFFFFF086  }
0x25: {  	[simem:s6], [sflag:s4] =	dma.local [hbm:s3], $0xF7A  }
0x26: {  	[smem:$0x3F9F] =	sst s1;
	(tag) =	ssettag s2;
	_ =	strace s9  }
0x27: {  	s1 =	sld [smem:$0x3FAF]  }
0x28: {  	s2 =	sld [smem:$0x3FB0]  }
0x29: {  	s4 =	sld [smem:$0x3FB2]  }
0x2a: {  	p0 =	seq.s32 s5, $0x0;
	s5 =	sld [smem:$0x3FB3]  }
0x2b: {  	s6 =	sld [smem:$0x3FB4]  }
0x2c: {  	s7 =	sld [smem:$0x3FB5]  }
0x2d: {  	s3 =	simm.s32 $0x108;
	s8 =	sld [smem:$0x3FB6]  }
0x2e: {  	s3 =	simm.s32 @!p0 $0x1082;
	s9 =	sld [smem:$0x3FB7]  }
0x2f: {  	lr =	sadd.s32 s0, s3;
	s0 =	sld [smem:$0x3FAE]  }
0x30: {  	s3 =	sld [smem:$0x3FB1]  }
0x31: {  	[smem:$0x3FBA] =	sst s10  }
0x32: {  	s10 =	sld [smem:$0x3FB8];
	_ =	sdelay $0x3  }
0x33: {  	p0 =	seq.s32 s10, $0x1;
	s10 =	sld [smem:$0x3FBA];
	_ =	sdelay $0x3  }
0x34: {  	[smem:$0x3FBA] =	sst s10  }
0x35: {  	s10 =	sld [smem:$0x3FB9];
	_ =	sdelay $0x3  }
0x36: {  	p1 =	seq.s32 s10, $0x1;
	s10 =	sld [smem:$0x3FBA];
	_ =	sdelay $0x3  }
0x37: {  	[smem:$0x3FBA] =	sst s10  }
0x38: {  	s10 =	sld [smem:$0x3FBB]  }
0x39: {  	_ = 	snop;
	(pc) =	sbr.ind lr, $3  }
0x3a: {  	_ = 	snop  }
0x3b: {  	_ = 	snop  }
0x3c: {  	p2 =	seq.s32 s10, $0x1;
	s10 =	sld [smem:$0x3FBA]  }
0x3d: {  	_ =	shalt  }
0x3e: {  	_ =	shalt  }
0x3f: {  	_ =	shalt  }
0x40: {  	_ =	shalt  }
0x41: {  	_ =	shalt  }
0x42: {  	_ =	shalt  }
0x43: {  	_ =	shalt  }
0x44: {  	_ =	shalt  }
0x45: {  	_ =	shalt  }
0x46: {  	_ =	shalt  }
0x47: {  	_ =	shalt  }
0x48: {  	_ =	shalt  }
0x49: {  	_ =	shalt  }
0x4a: {  	_ =	shalt  }
0x4b: {  	_ =	shalt  }
0x4c: {  	_ =	shalt  }
0x4d: {  	_ =	shalt  }
0x4e: {  	_ =	shalt  }
0x4f: {  	_ =	shalt  }
0x50: {  	_ =	shalt  }
0x51: {  	_ =	shalt  }
0x52: {  	_ =	shalt  }
0x53: {  	_ =	shalt  }
0x54: {  	_ =	shalt  }
0x55: {  	_ =	shalt  }
0x56: {  	_ =	shalt  }
0x57: {  	_ =	shalt  }
0x58: {  	_ =	shalt  }
0x59: {  	_ =	shalt  }
0x5a: {  	_ =	shalt  }
0x5b: {  	_ =	shalt  }
0x5c: {  	_ =	shalt  }
0x5d: {  	_ =	shalt  }
0x5e: {  	_ =	shalt  }
0x5f: {  	_ =	shalt  }
0x60: {  	_ =	shalt  }
0x61: {  	_ =	shalt  }
0x62: {  	_ =	shalt  }
0x63: {  	_ =	shalt  }
0x64: {  	_ =	shalt  }
0x65: {  	_ =	shalt  }
0x66: {  	_ =	shalt  }
0x67: {  	_ =	shalt  }
0x68: {  	_ =	shalt  }
0x69: {  	_ =	shalt  }
0x6a: {  	_ =	shalt  }
0x6b: {  	_ =	shalt  }
0x6c: {  	_ =	shalt  }
0x6d: {  	_ =	shalt  }
0x6e: {  	_ =	shalt  }
0x6f: {  	_ =	shalt  }
0x70: {  	_ =	shalt  }
0x71: {  	_ =	shalt  }
0x72: {  	_ =	shalt  }
0x73: {  	_ =	shalt  }
0x74: {  	_ =	shalt  }
0x75: {  	_ =	shalt  }
0x76: {  	_ =	shalt  }
0x77: {  	_ =	shalt  }
0x78: {  	_ =	shalt  }
0x79: {  	_ =	shalt  }
0x7a: {  	_ =	shalt  }
0x7b: {  	_ =	shalt  }
0x7c: {  	_ =	shalt  }
0x7d: {  	_ =	shalt  }
0x7e: {  	_ =	shalt  }
0x7f: {  	_ =	shalt  }
0x80: {  	_ =	shalt  }
0x81: {  	_ =	shalt  }
0x82: {  	_ =	shalt  }
0x83: {  	_ =	shalt  }
0x84: {  	_ =	shalt  }
0x85: {  	_ =	shalt  }
0x86: {  	_ =	shalt  }
0x87: {  	_ =	shalt  }
.Lfunc_end0:
.L_simem_size_0:
called_computation_lowered:
.L_overlay_start_0:
0x88: {  	s2 =	sld [smem:$0x3FD9]  }
0x89: {  	s3 =	sld [smem:$0x3FFE];
	_ =	sdelay $0x1  }
0x8a: {  	s1 =	srdreg.scid  }
0x8b: {  	s0 =	sand.u32 $0x1, s1  }
0x8c: {  	s17 =	sshll.u32 s0, $0xA;
	s2 =	sadd.s32 s3, s2  }
0x8d: {  	s2 =	sadd.s32 s2, s17  }
0x8e: {  	[smem:$0x3FC6] =	sst s2  }
0x8f: {  	_ = 	snop  }
0x90: {  	s2 =	sld [smem:$0x3FC8]  }
0x91: {  	s18 =	sld [smem:$0x3FD0];
	(tm) =	ssettm $0x1  }
0x92: {  	s4 =	sld [smem:$0x3FFB];
	_ =	sdelay $0x3  }
0x93: {  	_ =	strace s4  }
0x94: {  	s4 =	sld [smem:$0x3FFC];
	_ =	sdelay $0x3  }
0x95: {  	_ =	strace s4  }
0x96: {  	s4 =	sld [smem:$0x3FFD];
	_ =	sdelay $0x3  }
0x97: {  	_ =	strace s4  }
0x98: {  	_ =	strace $0x8FFFFFFF  }
0x99: {  	s19 =	sld [smem:$0x3FDB];
	_ =	sdelay $0x1  }
0x9a: {  	s5 =	simm.s32 $_scs_section_size  }
0x9b: {  	s6 =	simm.s32 $_size__tile_overlayer_lowered;
	s7 =	simm.s32 $_tile_overlayer_lowered  }
0x9c: {  	s22 =	simm.s32 $0x1BFF;
	s21 =	sshll.u32 s7, $0x1;
	s4 =	sadd.s32 s5, s19  }
0x9d: {  	s8 =	simm.s32 $0x0;
	s20 =	sshll.u32 s6, $0x1;
	s6 =	sadd.s32 s21, s4  }
0x9e: {  	[timem:s8], [sflag:s22] =	dma.local [hbm:s6], s20  }
0x9f: {  	_ =	swait.ge [sflag:s22], s20  }
0xa0: {  	s5 =	ssub.s32 $0x0, s20;
	[sflag:s22] =	ssyncset.done $0x0  }
0xa1: {  	[sflag:s22] =	ssyncadd.s32 s5;
	_ =	sdelay $0x1  }
0xa2: {  	s23 =	simm.s32 $0x1B8B  }
0xa3: {  	_ =	swait.ge [sflag:s23], $0x1  }
0xa4: {  	[sflag:s23] =	ssyncset.done $0x0  }
0xa5: {  	s25 =	simm.s32 $0x1B8E;
	s24 =	sld [smem:$0x3FFE];
	[sflag:s23] =	ssyncadd.s32 $0xFFFFFFFF  }
0xa6: {  	s26 =	simm.s32 $execute0_lowered;
	[smem:$0x3FD2] =	sst s25  }
0xa7: {  	s6 =	sshll.u32 s26, $0x1;
	_ =	strace $0x80000046;
	[dreg:$0x1] =	wrdreg $0xFFFFFFFF  }
0xa8: {  	s28 =	simm.s32 $_size_execute0_lowered;
	s4 =	sadd.s32 s4, s6;
	[dreg:$0x0] =	wrdreg $0x0  }
0xa9: {  	s6 =	sshll.u32 s28, $0x1;
	[dreg:$0x2] =	wrdreg s4  }
0xaa: {  	[dreg:$0x3] =	wrdreg s6  }
0xab: {  	[dreg:$0x4] =	wrdreg $0xC0  }
0xac: {  	_ =	task [dreg:s8], $0x5FFFF  }
0xad: {  	[dreg:$0x1] =	wrdreg $0xFFFFFFFF  }
0xae: {  	[dreg:$0x0] =	wrdreg $0x60  }
0xaf: {  	[dreg:$0x2] =	wrdreg s24  }
0xb0: {  	[dreg:$0x3] =	wrdreg s2  }
0xb1: {  	[dreg:$0x4] =	wrdreg s18  }
0xb2: {  	[dreg:$0x5] =	wrdreg $0x0  }
0xb3: {  	[dreg:$0x6] =	wrdreg $0x9  }
0xb4: {  	_ =	task.clear_ibuf [dreg:s8], $0x7FFFF;
	_ =	strace $0x90000046  }
0xb5: {  	s29 =	simm.s32 $0x9;
	_ =	strace $0x80000048  }
0xb6: {  	_ =	swait.ge [sflag:s29], $0x1  }
0xb7: {  	[sflag:s29] =	ssyncadd.s32 $0xFFFFFFFF  }
0xb8: {  	_ =	strace $0x90000048  }
0xb9: {  	_ =	sfence  }
0xba: {  	s30 =	sld [smem:$0x0];
	_ =	sdelay $0x2  }
0xbb: {  	s31 =	sshll.u32 s1, $0xD;
	s1 =	sshrl.u32 s1, $0x2  }
0xbc: {  	s3 =	sand.u32 $0x4000, s31;
	s1 =	sadd.s32 s1, s30  }
0xbd: {  	s0 =	sor.u32 s3, s0;
	s1 =	sshll.u32 s1, $0x11  }
0xbe: {  	s0 =	sor.u32 s1, s0  }
0xbf: {  	s0 =	sadd.s32 $0x8F2B, s0  }
0xc0: {  	[sflag:s0] =	ssyncadd.remote.s32 $0x1  }
0xc1: {  	_ =	sfence.sel $0xFFFF  }
0xc2: {  	[dreg:$0x0] =	wrdreg $0xFFFFFFFF;
	(pc) =	sbr.abs _section_cstart, $3  }
0xc3: {  	[dreg:$0x1] =	wrdreg $0xFFFFFFFF  }
0xc4: {  	_ =	task.clear_ibuf [dreg:s8], $0x2FFFF;
	_ =	strace $0x9FFFFFFF  }
0xc5: {  	(tm) =	ssettm $0x7FFFFFFF  }
tec
execute0_lowered:
.L_overlay_start_1:
0x0: {  	(tag) =	ssettag $0x1  }
0x1: {  	s0 =	rddreg [dreg:$0x0]  }
0x2: {  	s1 =	rddreg [dreg:$0x2];
	s3 =	srdreg.scid  }
0x3: {  	s7 =	stileid.u32;
	s2 =	rddreg [dreg:$0x3];
	s10 =	simm.s32 $0x1F40  }
0x4: {  	s11 =	simm.s32 $0xB;
	s12 =	simm.s32 $0x80;
	s13 =	simm.s32 $0x4740  }
0x5: {  	s17 =	simm.s32 $0xC740;
	s21 =	simm.s32 $0x14740;
	s22 =	simm.s32 $0x1  }
0x6: {  	s28 =	simm.s32 $0x8;
	s29 =	simm.s32 $0x9;
	s30 =	simm.s32 $0xA  }
0x7: {  	s31 =	simm.s32 $0x0;
	s5 =	sand.u32 $0x1, s3;
	s4 =	sshll.u32 s7, $0x1  }
0x8: {  	s3 =	simm.s32 $0x0;
	s24 =	smul.u32 $0x50000, s7;
	p0 =	sne.s32 s7, $0x0  }
0x9: {  	s4 =	sor.u32 s5, s4;
	s8 =	ssub.s32 $0x2, s5;
	s25 =	smul.u32 $0x28000, s5  }
0xa: {  	[smem:$0x7FF] =	sst s3;
	s6 =	smul.u32 $0x500, s4;
	s23 =	sshrl.u32 s8, $0x1  }
0xb: {  	_ =	strace $0x80000047;
	s9 =	smul.u32 $0x28000, s4;
	s8 =	ssub.s32 s8, s23  }
.Ltmp0:
0xc: {  	s23 =	simm.s32 $0x3;
	s0 =	sadd.s32 s6, s0;
	(pc) =	sbr.rel .LBB2_1-.Ltmp0, $4  }
0xd: {  	s5 =	smax.u32 s8, $0x1;
	s26 =	sadd.s32 s1, s9;
	s1 =	sadd.s32 s24, s1  }
0xe: {  	s9 =	sshrl.u32 @!p0 s2, $0x3;
	s24 =	simm.s32 $0x5;
	s4 =	sadd.s32 $0x400, s0  }
0xf: {  	s6 =	sadd.s32 $0x26000, s26;
	s0 =	sadd.s32 s25, s1;
	s7 =	sadd.s32 $0x27000, s26  }
0x10: {  	s25 =	simm.s32 $0x6;
	s26 =	simm.s32 $0x7;
	s1 =	sadd.s32 $0x2000, s0  }
.LBB2_4:
0x11: {  	_ =	swait.ge [sflag:s25], $0x4000  }
0x12: {  	[sflag:s25] =	ssyncset.done $0x0  }
0x13: {  	[sflag:s25] =	ssyncadd.s32 $0xFFFFC000  }
0x14: {  	_ =	swait.ge [sflag:s26], $0x4000  }
0x15: {  	[sflag:s26] =	ssyncset.done $0x0  }
0x16: {  	[sflag:s26] =	ssyncadd.s32 $0xFFFFC000  }
0x17: {  	_ =	swait.ge [sflag:s28], $0x4000  }
0x18: {  	[sflag:s28] =	ssyncset.done $0x0  }
0x19: {  	s31 =	sadd.s32 $0x1, s31;
	[sflag:s28] =	ssyncadd.s32 $0xFFFFC000  }
0x1a: {  	p1 =	sne.s32 s31, s5;
	_ =	swait.ge [sflag:s29], $0x4000  }
.Ltmp1:
0x1b: {  	[sflag:s29] =	ssyncset.done $0x0;
	(pc) =	sbr.rel @!p1 .LBB2_5-.Ltmp1, $4  }
0x1c: {  	[sflag:s29] =	ssyncadd.s32 $0xFFFFC000  }
0x1d: {  	_ =	swait.ge [sflag:s30], $0x4000  }
0x1e: {  	[sflag:s30] =	ssyncset.done $0x0  }
0x1f: {  	[sflag:s30] =	ssyncadd.s32 $0xFFFFC000  }
.LBB2_1:
0x20: {  	s0 =	simm.s32 @!p0 $0x1C0B;
	s8 =	rddreg [dreg:$0x1]  }
0x21: {  	[spmem:s9], [sflag:s0] =	dma.local @!p0 [hbm:s8], $0x3E80  }
0x22: {  	s0 =	simm.s32 @!p0 $0xB  }
0x23: {  	_ =	swait.ge @!p0 [sflag:s0], $0x3E80  }
0x24: {  	[sflag:s0] =	ssyncset.done @!p0 $0x0  }
0x25: {  	[sflag:s0] =	ssyncadd.s32 @!p0 $0xFFFFC180  }
0x26: {  	[tilespmem:s10], [sflag:$0xB] =	stream.linear.gather [hbm4b:s4+s3], $0x2800, $0x38;
	[tilespmem:$0x18740] =	vst v63  }
0x27: {  	_ =	swait.ge [sflag:s11], $0x2800  }
0x28: {  	[sflag:s11] =	ssyncset.done $0x0  }
0x29: {  	[sflag:s11] =	ssyncadd.s32 $0xFFFFD800  }
0x2a: {  	[bflag:$0x0] =	sbarrier.arrive $0xFFFF  }
0x2b: {  	[tilespmem:s13], [sflag:$0x1] =	stream.indirect.gather [spmem:s2], $0x80, s10, s12, $0xb8;
	[tilespmem:$0x18740] =	vst v63  }
0x2c: {  	s14 =	simm.s32 $0x1FC0;
	s15 =	simm.s32 $0x8740  }
0x2d: {  	[tilespmem:s15], [sflag:$0x2] =	stream.indirect.gather [spmem:s2], $0x80, s14, s12, $0xb8;
	[tilespmem:$0x18740] =	vst v63  }
0x2e: {  	s16 =	simm.s32 $0x2040  }
0x2f: {  	[tilespmem:s17], [sflag:$0x3] =	stream.indirect.gather [spmem:s2], $0x80, s16, s12, $0xb8;
	[tilespmem:$0x18740] =	vst v63  }
0x30: {  	s18 =	simm.s32 $0x20C0;
	s19 =	simm.s32 $0x10740  }
0x31: {  	[tilespmem:s19], [sflag:$0x4] =	stream.indirect.gather [spmem:s2], $0x80, s18, s12, $0xb8;
	[tilespmem:$0x18740] =	vst v63  }
0x32: {  	s20 =	simm.s32 $0x2140;
	s8 =	smov.u32 s1;
	s0 =	simm.s32 $0x0  }
0x33: {  	[tilespmem:s21], [sflag:$0x5] =	stream.indirect.gather [spmem:s2], $0x80, s20, s12, $0xb8;
	[tilespmem:$0x18740] =	vst v63  }
.LBB2_2:
0x34: {  	_ =	swait.ge [sflag:s22], $0x4000  }
0x35: {  	[sflag:s22] =	ssyncset.done $0x0  }
0x36: {  	s14 =	sadd.s32 $0xFFFFE000, s8;
	p1 =	seq.s32 s0, $0x9600;
	[sflag:s22] =	ssyncadd.s32 $0xFFFFC000  }
0x37: {  	[hbm4b:s14+s3] =	stream.linear.scatter [tilespmem:s13], [sflag:$0x6], $0x4000, $0x38;
	[tilespmem:$0x18740] =	vst v63  }
0x38: {  	s14 =	simm.s32 @p1 $0x2  }
0x39: {  	_ =	swait.ge @p1 [sflag:s14], $0x4000  }
0x3a: {  	[sflag:s14] =	ssyncset.done @p1 $0x0  }
0x3b: {  	s15 =	simm.s32 @p1 $0x8740;
	[sflag:s14] =	ssyncadd.s32 @p1 $0xFFFFC000;
	s14 =	simm.s32 @p1 $0x0  }
0x3c: {  	[hbm4b:s6+s14] =	stream.linear.scatter @p1 [tilespmem:s15], [sflag:$0x7], $0x4000, $0x38;
	[tilespmem:$0x18740] =	vst v63  }
0x3d: {  	s15 =	simm.s32 @!p1 $0x6  }
0x3e: {  	_ =	swait.ge @!p1 [sflag:s15], $0x4000  }
0x3f: {  	[sflag:s15] =	ssyncset.done @!p1 $0x0  }
0x40: {  	[sflag:s15] =	ssyncadd.s32 @!p1 $0xFFFFC000;
	s15 =	sshra.s32 @!p1 s0, $0x2  }
0x41: {  	s18 =	simm.s32 @!p1 $0x80;
	s19 =	simm.s32 @!p1 $0x4740;
	s16 =	sadd.s32 @!p1 $0x21C0, s15  }
0x42: {  	[tilespmem:s19], [sflag:$0x1] =	stream.indirect.gather @!p1 [spmem:s2], $0x80, s16, s18, $0xb8;
	[tilespmem:$0x18740] =	vst v63  }
0x43: {  	s16 =	simm.s32 @!p1 $0x2  }
0x44: {  	_ =	swait.ge @!p1 [sflag:s16], $0x4000  }
0x45: {  	s20 =	simm.s32 @!p1 $0x8740;
	[sflag:s16] =	ssyncset.done @!p1 $0x0  }
0x46: {  	s19 =	simm.s32 @!p1 $0x0;
	[sflag:s16] =	ssyncadd.s32 @!p1 $0xFFFFC000;
	s16 =	sadd.s32 @!p1 $0xFFFFE800, s8  }
0x47: {  	[hbm4b:s16+s19] =	stream.linear.scatter @!p1 [tilespmem:s20], [sflag:$0x7], $0x4000, $0x38;
	[tilespmem:$0x18740] =	vst v63  }
0x48: {  	s16 =	simm.s32 @!p1 $0x7  }
0x49: {  	_ =	swait.ge @!p1 [sflag:s16], $0x4000  }
0x4a: {  	[sflag:s16] =	ssyncset.done @!p1 $0x0  }
0x4b: {  	[sflag:s16] =	ssyncadd.s32 @!p1 $0xFFFFC000;
	s16 =	sadd.s32 @!p1 $0x2240, s15  }
0x4c: {  	[tilespmem:s20], [sflag:$0x2] =	stream.indirect.gather @!p1 [spmem:s2], $0x80, s16, s18, $0xb8;
	[tilespmem:$0x18740] =	vst v63  }
0x4d: {  	_ =	swait.ge [sflag:s23], $0x4000  }
0x4e: {  	[sflag:s23] =	ssyncset.done $0x0  }
0x4f: {  	s20 =	sadd.s32 $0xFFFFF000, s8;
	s16 =	simm.s32 @p1 $0x4;
	[sflag:s23] =	ssyncadd.s32 $0xFFFFC000  }
0x50: {  	[hbm4b:s20+s3] =	stream.linear.scatter [tilespmem:s17], [sflag:$0x8], $0x4000, $0x38;
	[tilespmem:$0x18740] =	vst v63  }
0x51: {  	_ =	swait.ge @p1 [sflag:s16], $0x4000  }
0x52: {  	[sflag:s16] =	ssyncset.done @p1 $0x0  }
0x53: {  	[sflag:s16] =	ssyncadd.s32 @p1 $0xFFFFC000;
	s16 =	simm.s32 @p1 $0x10740  }
0x54: {  	[hbm4b:s7+s14] =	stream.linear.scatter @p1 [tilespmem:s16], [sflag:$0x9], $0x4000, $0x38;
	[tilespmem:$0x18740] =	vst v63  }
0x55: {  	s14 =	simm.s32 @!p1 $0x8  }
0x56: {  	_ =	swait.ge @!p1 [sflag:s14], $0x4000  }
0x57: {  	[sflag:s14] =	ssyncset.done @!p1 $0x0  }
0x58: {  	s16 =	simm.s32 @!p1 $0xC740;
	[sflag:s14] =	ssyncadd.s32 @!p1 $0xFFFFC000;
	s14 =	sadd.s32 @!p1 $0x22C0, s15  }
0x59: {  	[tilespmem:s16], [sflag:$0x3] =	stream.indirect.gather @!p1 [spmem:s2], $0x80, s14, s18, $0xb8;
	[tilespmem:$0x18740] =	vst v63  }
0x5a: {  	s14 =	simm.s32 @!p1 $0x4  }
0x5b: {  	_ =	swait.ge @!p1 [sflag:s14], $0x4000  }
0x5c: {  	[sflag:s14] =	ssyncset.done @!p1 $0x0  }
0x5d: {  	s16 =	simm.s32 @!p1 $0x10740;
	[sflag:s14] =	ssyncadd.s32 @!p1 $0xFFFFC000;
	s14 =	sadd.s32 @!p1 $0xFFFFF800, s8  }
0x5e: {  	[hbm4b:s14+s19] =	stream.linear.scatter @!p1 [tilespmem:s16], [sflag:$0x9], $0x4000, $0x38;
	[tilespmem:$0x18740] =	vst v63  }
0x5f: {  	s14 =	simm.s32 @!p1 $0x9  }
0x60: {  	_ =	swait.ge @!p1 [sflag:s14], $0x4000  }
0x61: {  	[sflag:s14] =	ssyncset.done @!p1 $0x0  }
0x62: {  	[sflag:s14] =	ssyncadd.s32 @!p1 $0xFFFFC000;
	s14 =	sadd.s32 @!p1 $0x2340, s15  }
0x63: {  	[tilespmem:s16], [sflag:$0x4] =	stream.indirect.gather @!p1 [spmem:s2], $0x80, s14, s18, $0xb8;
	[tilespmem:$0x18740] =	vst v63  }
.Ltmp2:
0x64: {  	_ = 	snop;
	(pc) =	sbr.rel @p1 .LBB2_4-.Ltmp2, $4  }
0x65: {  	_ =	swait.ge [sflag:s24], $0x4000  }
0x66: {  	[sflag:s24] =	ssyncset.done $0x0  }
0x67: {  	[sflag:s24] =	ssyncadd.s32 $0xFFFFC000  }
0x68: {  	[hbm4b:s8+s3] =	stream.linear.scatter [tilespmem:s21], [sflag:$0xA], $0x4000, $0x38;
	[tilespmem:$0x18740] =	vst v63  }
.Ltmp3:
0x69: {  	(pc) =	sbr.rel .LBB2_2-.Ltmp3, $4  }
0x6a: {  	_ =	swait.ge [sflag:s30], $0x4000  }
0x6b: {  	s14 =	sshra.s32 s0, $0x2;
	s0 =	sadd.s32 $0xA00, s0;
	[sflag:s30] =	ssyncset.done $0x0  }
0x6c: {  	s8 =	sadd.s32 $0x2800, s8;
	s14 =	sadd.s32 $0x23C0, s14;
	[sflag:s30] =	ssyncadd.s32 $0xFFFFC000  }
0x6d: {  	[tilespmem:s21], [sflag:$0x5] =	stream.indirect.gather [spmem:s2], $0x80, s14, s12, $0xb8;
	[tilespmem:$0x18740] =	vst v63  }
.LBB2_5:
0x6e: {  	_ =	sfence.sel $0x180000  }
0x6f: {  	[bflag:$0x0] =	sbarrier.arrive $0xFFFF  }
0x70: {  	_ =	strace $0x90000047  }
0x71: {  	[bflag:$0x2] =	sbarrier.arrive $0xFFFF  }
0x72: {  	s0 =	rddreg [dreg:$0x4]  }
0x73: {  	s0 =	sadd.s32 @!p0 $0x100000, s0  }
0x74: {  	[sflag:s0] =	ssyncadd.tile.s32 @!p0 $0x1;
	_ =	shalt  }
.Lfunc_end2:
_tile_overlayer_lowered:
.L_overlay_start_2:
0x75: {  	(tag) =	ssettag $0x2  }
0x76: {  	s0 =	rddreg [dreg:$0x0];
	s2 =	stileid.u32  }
0x77: {  	s1 =	rddreg [dreg:$0x1];
	p0 =	sne.s32 s2, $0x0  }
0x78: {  	s3 =	rddreg [dreg:$0x2];
	[bflag:$0x3] =	sbarrier.arrive $0xFFFF;
	s2 =	simm.s32 @!p0 $0x1C0B  }
0x79: {  	[timem:s3], [sflag:s2] =	dma.local @!p0 [hbm:s0], s1  }
0x7a: {  	s0 =	simm.s32 @!p0 $0xB  }
0x7b: {  	_ =	swait.ge @!p0 [sflag:s0], s1  }
0x7c: {  	s1 =	ssub.s32 @!p0 $0x0, s1;
	[sflag:s0] =	ssyncset.done @!p0 $0x0  }
0x7d: {  	[sflag:s0] =	ssyncadd.s32 @!p0 s1  }
0x7e: {  	[bflag:$0x3] =	sbarrier.arrive $0xFFFF  }
0x7f: {  	_ =	shalt  }

</sc_bundles>
